<compile_context>
chip_gen: v7x
topology: tpu7x:2x2x1
jax: 0.10.2.dev20260603
libtpu: 0.0.44.dev20260713+nightly
codegen_flags: <defaults>
</compile_context>

<pallas_src>
import functools

import jax
import jax.numpy as jnp
from jax import lax
from jax.experimental import pallas as pl
from jax.experimental.pallas import tpu as pltpu
from jax.experimental.pallas import tpu_sc as plsc

_VSZ = 1000001
_DSZ = 64
_B = 4096
_L = 200

_ROW_BLK = 32768
_NBLK = -(-_VSZ // _ROW_BLK)
_NW = 32
_BPW = _B // _NW
_TPW = _BPW * _L
_GCHUNK = 128
_NCH = _TPW // _GCHUNK
_FIRE = 8


def _proj_body(lut_ref, w_ref, b_ref, pd_ref):
    w = w_ref[...]
    wd = w[1:2, :] - w[0:1, :]
    bd = b_ref[1] - b_ref[0]
    x = lut_ref[...]
    pd = lax.dot_general(wd, x, (((1,), (1,)), ((), ())),
                         preferred_element_type=jnp.float32)
    pd_ref[...] = (pd + bd).reshape(1, 1, _ROW_BLK)


def _project_table(lut_weight, out_weight, out_bias):
    return pl.pallas_call(
        _proj_body,
        grid=(_NBLK,),
        in_specs=[
            pl.BlockSpec((_ROW_BLK, _DSZ), lambda i: (i, 0)),
            pl.BlockSpec((2, _DSZ), lambda i: (0, 0)),
            pl.BlockSpec(memory_space=pltpu.SMEM),
        ],
        out_specs=pl.BlockSpec((1, 1, _ROW_BLK), lambda i: (i, 0, 0)),
        out_shape=jax.ShapeDtypeStruct((_NBLK, 1, _ROW_BLK), jnp.float32),
    )(lut_weight, out_weight, out_bias)


def _sc_body(pd_hbm, ids_hbm, d_hbm, idx_v, vals_v, out_v, sem):
    c = lax.axis_index("c")
    s = lax.axis_index("s")
    wid = s * 2 + c

    pltpu.sync_copy(ids_hbm.at[wid], idx_v)

    nacc = _BPW // 16

    def issue(j, carry):
        pltpu.async_copy(
            pd_hbm.at[idx_v.at[j]],
            vals_v.at[pl.ds(j * _GCHUNK, _GCHUNK)],
            sem)
        return carry

    lax.fori_loop(0, _NCH, issue, 0, unroll=False)

    pltpu.make_async_copy(pd_hbm.at[pl.ds(0, _TPW)], vals_v, sem).wait()

    def acc_chunk(j, accs):
        base = j * _GCHUNK
        return tuple(
            accs[r] + vals_v[pl.ds(base + r * 16, 16)]
            for r in range(nacc))

    accs = lax.fori_loop(
        0, _NCH, acc_chunk,
        tuple(jnp.zeros((16,), jnp.float32) for _ in range(nacc)),
        unroll=False)

    for r in range(nacc):
        out_v[pl.ds(r * 16, 16)] = accs[r] * (1.0 / _L)

    pltpu.sync_copy(out_v, d_hbm.at[pl.ds(wid * _BPW, _BPW)])


def _sc_gather_mean(pd_flat, ids3):
    mesh = plsc.VectorSubcoreMesh(core_axis_name="c", subcore_axis_name="s")
    run = pl.kernel(
        _sc_body,
        out_type=jax.ShapeDtypeStruct((_B,), jnp.float32),
        mesh=mesh,
        scratch_types=[
            pltpu.VMEM((_NCH, _GCHUNK), jnp.int32),
            pltpu.VMEM((_TPW,), jnp.float32),
            pltpu.VMEM((_BPW,), jnp.float32),
            pltpu.SemaphoreType.DMA,
        ],
    )
    return run(pd_flat, ids3)


def _head_body(d_ref, o0_ref, o1_ref):
    delta = d_ref[...]
    sp = jnp.maximum(delta, 0.0) + jnp.log1p(jnp.exp(-jnp.abs(delta)))
    o0_ref[...] = -sp
    o1_ref[...] = delta - sp


def _head(d2):
    return pl.pallas_call(
        _head_body,
        in_specs=[pl.BlockSpec((_NW, _BPW), lambda: (0, 0))],
        out_specs=[pl.BlockSpec((_NW, _BPW), lambda: (0, 0))] * 2,
        out_shape=[jax.ShapeDtypeStruct((_NW, _BPW), jnp.float32)] * 2,
    )(d2)


def kernel(input, lut_weight, out_weight, out_bias):
    ids = input.astype(jnp.int32)
    pd = _project_table(lut_weight, out_weight, out_bias).reshape(-1)
    ids3 = ids.reshape(_NW, _BPW, _L).transpose(0, 2, 1)
    delta = _sc_gather_mean(pd, ids3)
    o0, o1 = _head(delta.reshape(_NW, _BPW))
    return jnp.stack([o0.reshape(_B), o1.reshape(_B)], axis=-1)

# --- scband reference (transcript-rebuilt; emitter-appended) ---
"""Pipeline reference for scband-word-classifier-base-18107582120068 (READ-ONLY COPY).

The authoritative reference and input builder live on the scoring server;
editing this copy changes nothing except your own understanding.
"""

import jax, jax.numpy as jnp
import numpy as np

VSZ = 1000001  # vocab size + 1 (padding row, matching nn.Embedding(vsz+1, dsz))
DSZ = 64       # embedding dim
NC = 2         # number of labels
B = 4096       # batch
L = 200        # sequence length


def setup_inputs(seed: int = 0) -> dict:
    key = jax.random.key(seed)
    k1, k2, k3 = jax.random.split(key, 3)
    input_ids = jax.random.randint(k1, (B, L), 0, 1000000, dtype=jnp.int64 if jax.config.jax_enable_x64 else jnp.int32)
    lut_weight = jax.random.normal(k2, (VSZ, DSZ), dtype=jnp.float32) * 0.1
    out_weight = jax.random.normal(k3, (NC, DSZ), dtype=jnp.float32) * 0.05
    out_bias = jnp.zeros((NC,), dtype=jnp.float32)
    return {
        "input": input_ids,
        "lut_weight": lut_weight,
        "out_weight": out_weight,
        "out_bias": out_bias,
    }


def reference(input, lut_weight, out_weight, out_bias):
    # embeddings = self.lut(input)  -> gather rows from the embedding table
    embeddings = jnp.take(lut_weight, input, axis=0)  # [B, L, DSZ]
    # pooled = self._pool(embeddings): abstract in base class; mean-over-time pool
    pooled = jnp.mean(embeddings, axis=1)  # [B, DSZ]
    # stacked = self._stacked(pooled) -> identity in base class
    stacked = pooled
    # output = Linear(input_dim, nc) followed by LogSoftmax
    logits = stacked @ out_weight.T + out_bias  # [B, NC]
    return jax.nn.log_softmax(logits, axis=-1)

if __name__ == "__main__":
    import jax
    _d = setup_inputs()
    print(jax.jit(kernel)(*tuple(_d.values())))

</pallas_src>

<mosaic_0001>
#map = affine_map<(d0, d1) -> (0)>
#map1 = affine_map<(d0, d1) -> (0, 0, 0)>
module attributes {stable_mosaic.version = 14 : i64} {
  func.func @_sc_body(%arg0: i32, %arg1: i32, %arg2: memref<1015808xf32, #tpu.memory_space<hbm>>, %arg3: memref<32x200x128xi32, #tpu.memory_space<hbm>>, %arg4: memref<4096xf32, #tpu.memory_space<hbm>>, %arg5: memref<200x128xi32, #tpu.memory_space<vmem>>, %arg6: memref<25600xf32, #tpu.memory_space<vmem>>, %arg7: memref<128xf32, #tpu.memory_space<vmem>>, %arg8: memref<!tpu.dma_semaphore, #tpu.memory_space<semaphore_mem>>) attributes {dimension_semantics = [#tpu.dimension_semantics<core_parallel>, #tpu.dimension_semantics<subcore_parallel>], iteration_bounds = array<i64: 2, 16>, scalar_prefetch = 0 : i64, scratch_operands = 4 : i64, tpu.core_type = #tpu.core_type<sc_vector_subcore>, window_params = [{transform_indices = #map}, {transform_indices = #map1}, {transform_indices = #map}]} {
    %mul3A = arith.constant 2 : i32
    %mul3A_0 = arith.muli %arg1, %mul3A : i32
    %add3A = arith.addi %mul3A_0, %arg0 : i32
    "tpu.region"() ({
      %run_scoped3A = tpu.sem_alloc : memref<!tpu.dma_semaphore, #tpu.memory_space<semaphore_mem>>
      %dma_start3A = arith.constant 0 : i32
      %dma_start3A_87 = arith.constant 0 : i32
      %dma_start3A_88 = tpu.memref_slice %arg3[%add3A, %dma_start3A, %dma_start3A_87] : memref<32x200x128xi32, #tpu.memory_space<hbm>> -> memref<1x200x128xi32, #tpu.memory_space<hbm>>
      %dma_start3A_89 = tpu.memref_squeeze %dma_start3A_88 : memref<1x200x128xi32, #tpu.memory_space<hbm>> -> memref<200x128xi32, #tpu.memory_space<hbm>>
      %dma_start3A_90 = arith.constant 0 : i32
      %dma_start3A_91 = arith.constant 0 : i32
      %dma_start3A_92 = tpu.memref_slice %arg3[%add3A, %dma_start3A_90, %dma_start3A_91] : memref<32x200x128xi32, #tpu.memory_space<hbm>> -> memref<1x200x128xi32, #tpu.memory_space<hbm>>
      %dma_start3A_93 = tpu.memref_squeeze %dma_start3A_92 : memref<1x200x128xi32, #tpu.memory_space<hbm>> -> memref<200x128xi32, #tpu.memory_space<hbm>>
      tpu.enqueue_dma source(%dma_start3A_93 : memref<200x128xi32, #tpu.memory_space<hbm>>) target(%arg5 : memref<200x128xi32, #tpu.memory_space<vmem>>) target_semaphore(%run_scoped3A : memref<!tpu.dma_semaphore, #tpu.memory_space<semaphore_mem>>)
      %dma_wait3A_94 = arith.constant 0 : i32
      %dma_wait3A_95 = arith.constant 0 : i32
      %dma_wait3A_96 = tpu.memref_slice %arg3[%add3A, %dma_wait3A_94, %dma_wait3A_95] : memref<32x200x128xi32, #tpu.memory_space<hbm>> -> memref<1x200x128xi32, #tpu.memory_space<hbm>>
      %dma_wait3A_97 = tpu.memref_squeeze %dma_wait3A_96 : memref<1x200x128xi32, #tpu.memory_space<hbm>> -> memref<200x128xi32, #tpu.memory_space<hbm>>
      %dma_wait3A_98 = arith.constant 0 : i32
      %dma_wait3A_99 = arith.constant 0 : i32
      %dma_wait3A_100 = tpu.memref_slice %arg3[%add3A, %dma_wait3A_98, %dma_wait3A_99] : memref<32x200x128xi32, #tpu.memory_space<hbm>> -> memref<1x200x128xi32, #tpu.memory_space<hbm>>
      %dma_wait3A_101 = tpu.memref_squeeze %dma_wait3A_100 : memref<1x200x128xi32, #tpu.memory_space<hbm>> -> memref<200x128xi32, #tpu.memory_space<hbm>>
      tpu.wait_dma2 semaphore(%run_scoped3A : memref<!tpu.dma_semaphore, #tpu.memory_space<semaphore_mem>>) src(%dma_wait3A_101 : memref<200x128xi32, #tpu.memory_space<hbm>>) dst(%arg5 : memref<200x128xi32, #tpu.memory_space<vmem>>)
      tpu.yield
    }) : () -> ()
    %scan3A = arith.constant 0 : i32
    %scan3A_1 = arith.constant 0 : i32
    %scan3A_2 = arith.constant 200 : i32
    %scan3A_3 = arith.addi %scan3A_1, %scan3A_2 : i32
    %scan3A_4 = arith.constant 1 : i32
    scf.for %scan3A_87 = %scan3A_1 to %scan3A_3 step %scan3A_4  : i32 {
      %mul3A_88 = arith.constant 128 : i32
      %mul3A_89 = arith.muli %scan3A_87, %mul3A_88 : i32
      %dma_start3A = tpu.memref_slice %arg6[%mul3A_89] : memref<25600xf32, #tpu.memory_space<vmem>> -> memref<128xf32, #tpu.memory_space<vmem>>
      %dma_start3A_90 = arith.constant 0 : i32
      %dma_start3A_91 = tpu.memref_slice %arg5[%scan3A_87, %dma_start3A_90] : memref<200x128xi32, #tpu.memory_space<vmem>> -> memref<1x128xi32, #tpu.memory_space<vmem>>
      %dma_start3A_92 = tpu.memref_squeeze %dma_start3A_91 : memref<1x128xi32, #tpu.memory_space<vmem>> -> memref<128xi32, #tpu.memory_space<vmem>>
      %dma_start3A_93 = arith.constant 0 : i32
      %dma_start3A_94 = tpu.memref_slice %arg2[%dma_start3A_93] : memref<1015808xf32, #tpu.memory_space<hbm>> -> memref<1015808xf32, #tpu.memory_space<hbm>>
      tpu.enqueue_indirect_dma source(%dma_start3A_94 : memref<1015808xf32, #tpu.memory_space<hbm>>) target(%dma_start3A : memref<128xf32, #tpu.memory_space<vmem>>) offsets(%dma_start3A_92 : memref<128xi32, #tpu.memory_space<vmem>>) semaphore(%arg8 : memref<!tpu.dma_semaphore, #tpu.memory_space<semaphore_mem>>)
    }
    %scan3A_5 = arith.constant 200 : i32
    %dma_wait3A = arith.constant 0 : i32
    %dma_wait3A_6 = tpu.memref_slice %arg2[%dma_wait3A] : memref<1015808xf32, #tpu.memory_space<hbm>> -> memref<25600xf32, #tpu.memory_space<hbm>>
    %dma_wait3A_7 = arith.constant 0 : i32
    %dma_wait3A_8 = tpu.memref_slice %arg2[%dma_wait3A_7] : memref<1015808xf32, #tpu.memory_space<hbm>> -> memref<25600xf32, #tpu.memory_space<hbm>>
    tpu.wait_dma2 semaphore(%arg8 : memref<!tpu.dma_semaphore, #tpu.memory_space<semaphore_mem>>) src(%dma_wait3A_8 : memref<25600xf32, #tpu.memory_space<hbm>>) dst(%arg6 : memref<25600xf32, #tpu.memory_space<vmem>>)
    %broadcast_in_dim3A = arith.constant 0.000000e+00 : f32
    %broadcast_in_dim3A_9 = vector.broadcast %broadcast_in_dim3A : f32 to vector<16xf32>
    %broadcast_in_dim3A_10 = arith.constant 0.000000e+00 : f32
    %broadcast_in_dim3A_11 = vector.broadcast %broadcast_in_dim3A_10 : f32 to vector<16xf32>
    %broadcast_in_dim3A_12 = arith.constant 0.000000e+00 : f32
    %broadcast_in_dim3A_13 = vector.broadcast %broadcast_in_dim3A_12 : f32 to vector<16xf32>
    %broadcast_in_dim3A_14 = arith.constant 0.000000e+00 : f32
    %broadcast_in_dim3A_15 = vector.broadcast %broadcast_in_dim3A_14 : f32 to vector<16xf32>
    %broadcast_in_dim3A_16 = arith.constant 0.000000e+00 : f32
    %broadcast_in_dim3A_17 = vector.broadcast %broadcast_in_dim3A_16 : f32 to vector<16xf32>
    %broadcast_in_dim3A_18 = arith.constant 0.000000e+00 : f32
    %broadcast_in_dim3A_19 = vector.broadcast %broadcast_in_dim3A_18 : f32 to vector<16xf32>
    %broadcast_in_dim3A_20 = arith.constant 0.000000e+00 : f32
    %broadcast_in_dim3A_21 = vector.broadcast %broadcast_in_dim3A_20 : f32 to vector<16xf32>
    %broadcast_in_dim3A_22 = arith.constant 0.000000e+00 : f32
    %broadcast_in_dim3A_23 = vector.broadcast %broadcast_in_dim3A_22 : f32 to vector<16xf32>
    %scan3A_24 = arith.constant 0 : i32
    %scan3A_25 = arith.constant 200 : i32
    %scan3A_26 = arith.addi %scan3A_24, %scan3A_25 : i32
    %scan3A_27 = arith.constant 1 : i32
    %scan3A_28:8 = scf.for %scan3A_87 = %scan3A_24 to %scan3A_26 step %scan3A_27 iter_args(%scan3A_88 = %broadcast_in_dim3A_9, %scan3A_89 = %broadcast_in_dim3A_11, %scan3A_90 = %broadcast_in_dim3A_13, %scan3A_91 = %broadcast_in_dim3A_15, %scan3A_92 = %broadcast_in_dim3A_17, %scan3A_93 = %broadcast_in_dim3A_19, %scan3A_94 = %broadcast_in_dim3A_21, %scan3A_95 = %broadcast_in_dim3A_23) -> (vector<16xf32>, vector<16xf32>, vector<16xf32>, vector<16xf32>, vector<16xf32>, vector<16xf32>, vector<16xf32>, vector<16xf32>)  : i32 {
      %mul3A_96 = arith.constant 128 : i32
      %mul3A_97 = arith.muli %scan3A_87, %mul3A_96 : i32
      %add3A_98 = arith.constant 0 : i32
      %add3A_99 = arith.addi %mul3A_97, %add3A_98 : i32
      %get3A = arith.index_cast %add3A_99 : i32 to index
      %get3A_100 = tpu.vector_load %arg6[%get3A] {strides = array<i32>} : memref<25600xf32, #tpu.memory_space<vmem>>, vector<16xf32>,
      %get3A_101 = vector.shape_cast %get3A_100 : vector<16xf32> to vector<16xf32>
      %add3A_102 = arith.addf %scan3A_88, %get3A_101 : vector<16xf32>
      %add3A_103 = arith.constant 16 : i32
      %add3A_104 = arith.addi %mul3A_97, %add3A_103 : i32
      %get3A_105 = arith.index_cast %add3A_104 : i32 to index
      %get3A_106 = tpu.vector_load %arg6[%get3A_105] {strides = array<i32>} : memref<25600xf32, #tpu.memory_space<vmem>>, vector<16xf32>,
      %get3A_107 = vector.shape_cast %get3A_106 : vector<16xf32> to vector<16xf32>
      %add3A_108 = arith.addf %scan3A_89, %get3A_107 : vector<16xf32>
      %add3A_109 = arith.constant 32 : i32
      %add3A_110 = arith.addi %mul3A_97, %add3A_109 : i32
      %get3A_111 = arith.index_cast %add3A_110 : i32 to index
      %get3A_112 = tpu.vector_load %arg6[%get3A_111] {strides = array<i32>} : memref<25600xf32, #tpu.memory_space<vmem>>, vector<16xf32>,
      %get3A_113 = vector.shape_cast %get3A_112 : vector<16xf32> to vector<16xf32>
      %add3A_114 = arith.addf %scan3A_90, %get3A_113 : vector<16xf32>
      %add3A_115 = arith.constant 48 : i32
      %add3A_116 = arith.addi %mul3A_97, %add3A_115 : i32
      %get3A_117 = arith.index_cast %add3A_116 : i32 to index
      %get3A_118 = tpu.vector_load %arg6[%get3A_117] {strides = array<i32>} : memref<25600xf32, #tpu.memory_space<vmem>>, vector<16xf32>,
      %get3A_119 = vector.shape_cast %get3A_118 : vector<16xf32> to vector<16xf32>
      %add3A_120 = arith.addf %scan3A_91, %get3A_119 : vector<16xf32>
      %add3A_121 = arith.constant 64 : i32
      %add3A_122 = arith.addi %mul3A_97, %add3A_121 : i32
      %get3A_123 = arith.index_cast %add3A_122 : i32 to index
      %get3A_124 = tpu.vector_load %arg6[%get3A_123] {strides = array<i32>} : memref<25600xf32, #tpu.memory_space<vmem>>, vector<16xf32>,
      %get3A_125 = vector.shape_cast %get3A_124 : vector<16xf32> to vector<16xf32>
      %add3A_126 = arith.addf %scan3A_92, %get3A_125 : vector<16xf32>
      %add3A_127 = arith.constant 80 : i32
      %add3A_128 = arith.addi %mul3A_97, %add3A_127 : i32
      %get3A_129 = arith.index_cast %add3A_128 : i32 to index
      %get3A_130 = tpu.vector_load %arg6[%get3A_129] {strides = array<i32>} : memref<25600xf32, #tpu.memory_space<vmem>>, vector<16xf32>,
      %get3A_131 = vector.shape_cast %get3A_130 : vector<16xf32> to vector<16xf32>
      %add3A_132 = arith.addf %scan3A_93, %get3A_131 : vector<16xf32>
      %add3A_133 = arith.constant 96 : i32
      %add3A_134 = arith.addi %mul3A_97, %add3A_133 : i32
      %get3A_135 = arith.index_cast %add3A_134 : i32 to index
      %get3A_136 = tpu.vector_load %arg6[%get3A_135] {strides = array<i32>} : memref<25600xf32, #tpu.memory_space<vmem>>, vector<16xf32>,
      %get3A_137 = vector.shape_cast %get3A_136 : vector<16xf32> to vector<16xf32>
      %add3A_138 = arith.addf %scan3A_94, %get3A_137 : vector<16xf32>
      %add3A_139 = arith.constant 112 : i32
      %add3A_140 = arith.addi %mul3A_97, %add3A_139 : i32
      %get3A_141 = arith.index_cast %add3A_140 : i32 to index
      %get3A_142 = tpu.vector_load %arg6[%get3A_141] {strides = array<i32>} : memref<25600xf32, #tpu.memory_space<vmem>>, vector<16xf32>,
      %get3A_143 = vector.shape_cast %get3A_142 : vector<16xf32> to vector<16xf32>
      %add3A_144 = arith.addf %scan3A_95, %get3A_143 : vector<16xf32>
      scf.yield %add3A_102, %add3A_108, %add3A_114, %add3A_120, %add3A_126, %add3A_132, %add3A_138, %add3A_144 : vector<16xf32>, vector<16xf32>, vector<16xf32>, vector<16xf32>, vector<16xf32>, vector<16xf32>, vector<16xf32>, vector<16xf32>
    }
    %scan3A_29 = arith.constant 200 : i32
    %mul3A_30 = arith.constant 5.000000e-03 : f32
    %mul3A_31 = vector.broadcast %mul3A_30 : f32 to vector<16xf32>
    %mul3A_32 = arith.mulf %scan3A_28#0, %mul3A_31 : vector<16xf32>
    %swap3A = arith.constant 0 : index
    %swap3A_33 = tpu.vector_load %arg7[%swap3A] {strides = array<i32>} : memref<128xf32, #tpu.memory_space<vmem>>, vector<16xf32>,
    %swap3A_34 = vector.shape_cast %swap3A_33 : vector<16xf32> to vector<16xf32>
    %swap3A_35 = vector.shape_cast %mul3A_32 : vector<16xf32> to vector<16xf32>
    tpu.vector_store %arg7[%swap3A], %swap3A_35 {strides = array<i32>} : memref<128xf32, #tpu.memory_space<vmem>>, vector<16xf32>,
    %mul3A_36 = arith.constant 5.000000e-03 : f32
    %mul3A_37 = vector.broadcast %mul3A_36 : f32 to vector<16xf32>
    %mul3A_38 = arith.mulf %scan3A_28#1, %mul3A_37 : vector<16xf32>
    %swap3A_39 = arith.constant 16 : index
    %swap3A_40 = tpu.vector_load %arg7[%swap3A_39] {strides = array<i32>} : memref<128xf32, #tpu.memory_space<vmem>>, vector<16xf32>,
    %swap3A_41 = vector.shape_cast %swap3A_40 : vector<16xf32> to vector<16xf32>
    %swap3A_42 = vector.shape_cast %mul3A_38 : vector<16xf32> to vector<16xf32>
    tpu.vector_store %arg7[%swap3A_39], %swap3A_42 {strides = array<i32>} : memref<128xf32, #tpu.memory_space<vmem>>, vector<16xf32>,
    %mul3A_43 = arith.constant 5.000000e-03 : f32
    %mul3A_44 = vector.broadcast %mul3A_43 : f32 to vector<16xf32>
    %mul3A_45 = arith.mulf %scan3A_28#2, %mul3A_44 : vector<16xf32>
    %swap3A_46 = arith.constant 32 : index
    %swap3A_47 = tpu.vector_load %arg7[%swap3A_46] {strides = array<i32>} : memref<128xf32, #tpu.memory_space<vmem>>, vector<16xf32>,
    %swap3A_48 = vector.shape_cast %swap3A_47 : vector<16xf32> to vector<16xf32>
    %swap3A_49 = vector.shape_cast %mul3A_45 : vector<16xf32> to vector<16xf32>
    tpu.vector_store %arg7[%swap3A_46], %swap3A_49 {strides = array<i32>} : memref<128xf32, #tpu.memory_space<vmem>>, vector<16xf32>,
    %mul3A_50 = arith.constant 5.000000e-03 : f32
    %mul3A_51 = vector.broadcast %mul3A_50 : f32 to vector<16xf32>
    %mul3A_52 = arith.mulf %scan3A_28#3, %mul3A_51 : vector<16xf32>
    %swap3A_53 = arith.constant 48 : index
    %swap3A_54 = tpu.vector_load %arg7[%swap3A_53] {strides = array<i32>} : memref<128xf32, #tpu.memory_space<vmem>>, vector<16xf32>,
    %swap3A_55 = vector.shape_cast %swap3A_54 : vector<16xf32> to vector<16xf32>
    %swap3A_56 = vector.shape_cast %mul3A_52 : vector<16xf32> to vector<16xf32>
    tpu.vector_store %arg7[%swap3A_53], %swap3A_56 {strides = array<i32>} : memref<128xf32, #tpu.memory_space<vmem>>, vector<16xf32>,
    %mul3A_57 = arith.constant 5.000000e-03 : f32
    %mul3A_58 = vector.broadcast %mul3A_57 : f32 to vector<16xf32>
    %mul3A_59 = arith.mulf %scan3A_28#4, %mul3A_58 : vector<16xf32>
    %swap3A_60 = arith.constant 64 : index
    %swap3A_61 = tpu.vector_load %arg7[%swap3A_60] {strides = array<i32>} : memref<128xf32, #tpu.memory_space<vmem>>, vector<16xf32>,
    %swap3A_62 = vector.shape_cast %swap3A_61 : vector<16xf32> to vector<16xf32>
    %swap3A_63 = vector.shape_cast %mul3A_59 : vector<16xf32> to vector<16xf32>
    tpu.vector_store %arg7[%swap3A_60], %swap3A_63 {strides = array<i32>} : memref<128xf32, #tpu.memory_space<vmem>>, vector<16xf32>,
    %mul3A_64 = arith.constant 5.000000e-03 : f32
    %mul3A_65 = vector.broadcast %mul3A_64 : f32 to vector<16xf32>
    %mul3A_66 = arith.mulf %scan3A_28#5, %mul3A_65 : vector<16xf32>
    %swap3A_67 = arith.constant 80 : index
    %swap3A_68 = tpu.vector_load %arg7[%swap3A_67] {strides = array<i32>} : memref<128xf32, #tpu.memory_space<vmem>>, vector<16xf32>,
    %swap3A_69 = vector.shape_cast %swap3A_68 : vector<16xf32> to vector<16xf32>
    %swap3A_70 = vector.shape_cast %mul3A_66 : vector<16xf32> to vector<16xf32>
    tpu.vector_store %arg7[%swap3A_67], %swap3A_70 {strides = array<i32>} : memref<128xf32, #tpu.memory_space<vmem>>, vector<16xf32>,
    %mul3A_71 = arith.constant 5.000000e-03 : f32
    %mul3A_72 = vector.broadcast %mul3A_71 : f32 to vector<16xf32>
    %mul3A_73 = arith.mulf %scan3A_28#6, %mul3A_72 : vector<16xf32>
    %swap3A_74 = arith.constant 96 : index
    %swap3A_75 = tpu.vector_load %arg7[%swap3A_74] {strides = array<i32>} : memref<128xf32, #tpu.memory_space<vmem>>, vector<16xf32>,
    %swap3A_76 = vector.shape_cast %swap3A_75 : vector<16xf32> to vector<16xf32>
    %swap3A_77 = vector.shape_cast %mul3A_73 : vector<16xf32> to vector<16xf32>
    tpu.vector_store %arg7[%swap3A_74], %swap3A_77 {strides = array<i32>} : memref<128xf32, #tpu.memory_space<vmem>>, vector<16xf32>,
    %mul3A_78 = arith.constant 5.000000e-03 : f32
    %mul3A_79 = vector.broadcast %mul3A_78 : f32 to vector<16xf32>
    %mul3A_80 = arith.mulf %scan3A_28#7, %mul3A_79 : vector<16xf32>
    %swap3A_81 = arith.constant 112 : index
    %swap3A_82 = tpu.vector_load %arg7[%swap3A_81] {strides = array<i32>} : memref<128xf32, #tpu.memory_space<vmem>>, vector<16xf32>,
    %swap3A_83 = vector.shape_cast %swap3A_82 : vector<16xf32> to vector<16xf32>
    %swap3A_84 = vector.shape_cast %mul3A_80 : vector<16xf32> to vector<16xf32>
    tpu.vector_store %arg7[%swap3A_81], %swap3A_84 {strides = array<i32>} : memref<128xf32, #tpu.memory_space<vmem>>, vector<16xf32>,
    %mul3A_85 = arith.constant 128 : i32
    %mul3A_86 = arith.muli %add3A, %mul3A_85 : i32
    "tpu.region"() ({
      %run_scoped3A = tpu.sem_alloc : memref<!tpu.dma_semaphore, #tpu.memory_space<semaphore_mem>>
      %dma_start3A = tpu.memref_slice %arg4[%mul3A_86] : memref<4096xf32, #tpu.memory_space<hbm>> -> memref<128xf32, #tpu.memory_space<hbm>>
      %dma_start3A_87 = tpu.memref_slice %arg4[%mul3A_86] : memref<4096xf32, #tpu.memory_space<hbm>> -> memref<128xf32, #tpu.memory_space<hbm>>
      tpu.enqueue_dma source(%arg7 : memref<128xf32, #tpu.memory_space<vmem>>) target(%dma_start3A_87 : memref<128xf32, #tpu.memory_space<hbm>>) target_semaphore(%run_scoped3A : memref<!tpu.dma_semaphore, #tpu.memory_space<semaphore_mem>>)
      %dma_wait3A_88 = tpu.memref_slice %arg4[%mul3A_86] : memref<4096xf32, #tpu.memory_space<hbm>> -> memref<128xf32, #tpu.memory_space<hbm>>
      %dma_wait3A_89 = tpu.memref_slice %arg4[%mul3A_86] : memref<4096xf32, #tpu.memory_space<hbm>> -> memref<128xf32, #tpu.memory_space<hbm>>
      tpu.wait_dma2 semaphore(%run_scoped3A : memref<!tpu.dma_semaphore, #tpu.memory_space<semaphore_mem>>) src(%arg7 : memref<128xf32, #tpu.memory_space<vmem>>) dst(%dma_wait3A_89 : memref<128xf32, #tpu.memory_space<hbm>>)
      tpu.yield
    }) : () -> ()
    return
  }
}

module attributes {stable_mosaic.version = 14 : i64} {
  func.func @_proj_body(%arg0: i32, %arg1: memref<32768x64xf32, #tpu.memory_space<vmem>>, %arg2: memref<2x64xf32, #tpu.memory_space<vmem>>, %arg3: memref<2xf32, #tpu.memory_space<smem>>, %arg4: memref<1x1x32768xf32, #tpu.memory_space<vmem>>) attributes {dimension_semantics = [#tpu.dimension_semantics<arbitrary>], iteration_bounds = array<i64: 31>, scalar_prefetch = 0 : i64, scratch_operands = 0 : i64, tpu.core_type = #tpu.core_type<tc>, window_params = [{transform_indices = @transform_0, window_bounds = array<i64: 32768, 64>}, {pipeline_mode = #tpu.pipeline_mode<synchronous>, transform_indices = @transform_1, window_bounds = array<i64: 2, 64>}, {transform_indices = @transform_2, window_bounds = array<i64: 2>}, {transform_indices = @transform_3, window_bounds = array<i64: 1, 1, 32768>}]} {
    %get3A = arith.constant 0 : index
    %get3A_0 = arith.constant 0 : index
    %get3A_1 = vector.load %arg2[%get3A, %get3A_0] : memref<2x64xf32, #tpu.memory_space<vmem>>, vector<2x64xf32>
    %slice3A = vector.extract_strided_slice %get3A_1 {offsets = [1, 0], sizes = [1, 64], strides = [1, 1]} : vector<2x64xf32> to vector<1x64xf32>
    %slice3A_2 = vector.extract_strided_slice %get3A_1 {offsets = [0, 0], sizes = [1, 64], strides = [1, 1]} : vector<2x64xf32> to vector<1x64xf32>
    %sub3A = arith.subf %slice3A, %slice3A_2 : vector<1x64xf32>
    %get3A_3 = arith.constant 1 : index
    %get3A_4 = memref.load %arg3[%get3A_3] : memref<2xf32, #tpu.memory_space<smem>>
    %get3A_5 = arith.constant 0 : index
    %get3A_6 = memref.load %arg3[%get3A_5] : memref<2xf32, #tpu.memory_space<smem>>
    %sub3A_7 = arith.subf %get3A_4, %get3A_6 : f32
    %get3A_8 = arith.constant 0 : index
    %get3A_9 = arith.constant 0 : index
    %get3A_10 = vector.load %arg1[%get3A_8, %get3A_9] : memref<32768x64xf32, #tpu.memory_space<vmem>>, vector<32768x64xf32>
    %dot_general3A = arith.constant dense<0.000000e+00> : vector<1x32768xf32>
    %dot_general3A_11 = tpu.matmul %sub3A, %get3A_10, %dot_general3A {dimension_numbers = #tpu.dot_dimension_numbers<[1], [1], [0], [0], [0, 0, 1, 0], [], []>, transpose_lhs_hint = false} : vector<1x64xf32>, vector<32768x64xf32>, vector<1x32768xf32> -> vector<1x32768xf32>
    %add3A = vector.broadcast %sub3A_7 : f32 to vector<1x32768xf32>
    %add3A_12 = arith.addf %dot_general3A_11, %add3A : vector<1x32768xf32>
    %reshape3A = vector.shape_cast %add3A_12 : vector<1x32768xf32> to vector<1x1x32768xf32>
    %swap3A = arith.constant 0 : index
    %swap3A_13 = arith.constant 0 : index
    %swap3A_14 = arith.constant 0 : index
    %swap3A_15 = vector.load %arg4[%swap3A, %swap3A_13, %swap3A_14] : memref<1x1x32768xf32, #tpu.memory_space<vmem>>, vector<1x1x32768xf32>
    tpu.vector_store %arg4[%swap3A, %swap3A_13, %swap3A_14], %reshape3A {strides = array<i32>} : memref<1x1x32768xf32, #tpu.memory_space<vmem>>, vector<1x1x32768xf32>,
    return
  }
  func.func @transform_0(%arg0: i32) -> (i32, i32) {
    %c0_i32 = arith.constant 0 : i32
    %c0_i32_0 = arith.constant 0 : i32
    return %arg0, %c0_i32 : i32, i32
  }
  func.func @transform_1(%arg0: i32) -> (i32, i32) {
    %c0_i32 = arith.constant 0 : i32
    %c0_i32_0 = arith.constant 0 : i32
    %c0_i32_1 = arith.constant 0 : i32
    return %c0_i32, %c0_i32_0 : i32, i32
  }
  func.func @transform_2(%arg0: i32) -> i32 {
    %c0_i32 = arith.constant 0 : i32
    %c0_i32_0 = arith.constant 0 : i32
    return %c0_i32 : i32
  }
  func.func @transform_3(%arg0: i32) -> (i32, i32, i32) {
    %c0_i32 = arith.constant 0 : i32
    %c0_i32_0 = arith.constant 0 : i32
    %c0_i32_1 = arith.constant 0 : i32
    return %arg0, %c0_i32, %c0_i32_0 : i32, i32, i32
  }
}

module attributes {stable_mosaic.version = 14 : i64} {
  func.func @_head_body(%arg0: memref<32x128xf32, #tpu.memory_space<vmem>>, %arg1: memref<32x128xf32, #tpu.memory_space<vmem>>, %arg2: memref<32x128xf32, #tpu.memory_space<vmem>>) attributes {dimension_semantics = [], scalar_prefetch = 0 : i64, scratch_operands = 0 : i64, tpu.core_type = #tpu.core_type<tc>} {
    %get3A = arith.constant 0 : index
    %get3A_0 = arith.constant 0 : index
    %get3A_1 = vector.load %arg0[%get3A, %get3A_0] : memref<32x128xf32, #tpu.memory_space<vmem>>, vector<32x128xf32>
    %max3A = arith.constant 0.000000e+00 : f32
    %max3A_2 = vector.broadcast %max3A : f32 to vector<32x128xf32>
    %max3A_3 = arith.maximumf %get3A_1, %max3A_2 : vector<32x128xf32>
    %abs3A = math.absf %get3A_1 : vector<32x128xf32>
    %neg3A = arith.constant 0.000000e+00 : f32
    %neg3A_4 = vector.broadcast %neg3A : f32 to vector<32x128xf32>
    %neg3A_5 = arith.subf %neg3A_4, %abs3A : vector<32x128xf32>
    %exp3A = math.exp %neg3A_5 : vector<32x128xf32>
    %log1p3A = math.log1p %exp3A : vector<32x128xf32>
    %add3A = arith.addf %max3A_3, %log1p3A : vector<32x128xf32>
    %neg3A_6 = arith.constant 0.000000e+00 : f32
    %neg3A_7 = vector.broadcast %neg3A_6 : f32 to vector<32x128xf32>
    %neg3A_8 = arith.subf %neg3A_7, %add3A : vector<32x128xf32>
    %swap3A = arith.constant 0 : index
    %swap3A_9 = arith.constant 0 : index
    %swap3A_10 = vector.load %arg1[%swap3A, %swap3A_9] : memref<32x128xf32, #tpu.memory_space<vmem>>, vector<32x128xf32>
    tpu.vector_store %arg1[%swap3A, %swap3A_9], %neg3A_8 {strides = array<i32>} : memref<32x128xf32, #tpu.memory_space<vmem>>, vector<32x128xf32>,
    %sub3A = arith.subf %get3A_1, %add3A : vector<32x128xf32>
    %swap3A_11 = arith.constant 0 : index
    %swap3A_12 = arith.constant 0 : index
    %swap3A_13 = vector.load %arg2[%swap3A_11, %swap3A_12] : memref<32x128xf32, #tpu.memory_space<vmem>>, vector<32x128xf32>
    tpu.vector_store %arg2[%swap3A_11, %swap3A_12], %sub3A {strides = array<i32>} : memref<32x128xf32, #tpu.memory_space<vmem>>, vector<32x128xf32>,
    return
  }
}

</mosaic_0001>

<sc_bundles>
// kernel: kernel.5.cloned.1.call-start
scs
__scs_entry_jumppad:
0x0: {  	(pc) =	sbr.rel $0x88, $3  }
0x1: {  	(tag) =	ssettag $0x0;
	lr =	simm.s32 $0x1  }
0x2: {  	[smem:$0x3F9D] =	sst lr;
	_ =	strace $0xD0000000  }
0x3: {  	_ = 	snop  }
0x4: {  	_ = 	snop  }
0x5: {  	_ = 	snop  }
0x6: {  	_ = 	snop  }
0x7: {  	_ = 	snop  }
__scs_overlays_trampoline_lowered:
0x8: {  	[smem:$0x3FAC] =	sst s0  }
0x9: {  	[smem:$0x3FAD] =	sst s1  }
0xa: {  	[smem:$0x3FAE] =	sst s2  }
0xb: {  	[smem:$0x3FAF] =	sst s3  }
0xc: {  	[smem:$0x3FB0] =	sst s4  }
0xd: {  	[smem:$0x3FB1] =	sst s5  }
0xe: {  	[smem:$0x3FB2] =	sst s6  }
0xf: {  	[smem:$0x3FB3] =	sst s7  }
0x10: {  	[smem:$0x3FB4] =	sst s8  }
0x11: {  	[smem:$0x3FB5] =	sst s9;
	s0 =	simm.s32 @!p0 $0x0  }
0x12: {  	s1 =	sld [smem:$0x3F9B];
	s0 =	simm.s32 @p0 $0x1  }
0x13: {  	[smem:$0x3FB6] =	sst s0;
	s0 =	simm.s32 @!p1 $0x0  }
0x14: {  	s2 =	sld [smem:$0x3F9A];
	s0 =	simm.s32 @p1 $0x1  }
0x15: {  	[smem:$0x3FB7] =	sst s0;
	s0 =	simm.s32 @!p2 $0x0  }
0x16: {  	s3 =	sld [smem:$0x3FDB];
	s0 =	simm.s32 @p2 $0x1  }
0x17: {  	s4 =	simm.s32 $0x1BF5;
	[smem:$0x3FB9] =	sst s0  }
0x18: {  	s0 =	sld [smem:$0x3F9C];
	_ =	swait.ge [sflag:s4], $0x0  }
0x19: {  	s7 =	sld [smem:$0x3F9D]  }
0x1a: {  	s8 =	sadd.s32 $0xFFFFE003, lr  }
0x1b: {  	s9 =	sadd.s32 $0xFFFFFEF7, lr;
	s5 =	simm.s32 $0xFFFFFFFF;
	p2 =	slt.u32 s8, $0xFFFFF086  }
0x1c: {  	p1 =	slt.u32 s9, $0xF7A;
	s5 =	simm.s32 @!p2 $0x0  }
0x1d: {  	s5 =	simm.s32 @p1 $0x1;
	p0 =	seq.s32 s7, s2  }
0x1e: {  	s7 =	smul.u32 @!p0 $0xF7A, s2;
	p2 =	seq.s32 @!p0 s5, $0x0  }
0x1f: {  	s9 =	smul.u32 $0xF7A, s1;
	s8 =	simm.s32 @!p0 $0x1BF5;
	p2 =	por !p2, p0  }
0x20: {  	[sflag:s8] =	ssyncset.s32 @!p0 $0xFFFFF086;
	s6 =	sadd.s32 @!p0 s3, s7;
	s7 =	simm.s32 @!p0 $0x108  }
0x21: {  	s3 =	sadd.s32 s3, s9;
	s6 =	sadd.s32 @!p0 $0x88, s6;
	s7 =	simm.s32 @p2 $0x1082  }
0x22: {  	[simem:s7], [sflag:s8] =	dma.local @!p0 [hbm:s6], $0xF7A  }
0x23: {  	s9 =	sor.u32 $0xD0000000, s2;
	s6 =	simm.s32 $0x108;
	_ =	swait.ge @!p0 [sflag:s8], $0x0  }
0x24: {  	s3 =	sadd.s32 $0x88, s3;
	s6 =	simm.s32 @!p1 $0x1082;
	[sflag:s4] =	ssyncset.s32 $0xFFFFF086  }
0x25: {  	[simem:s6], [sflag:s4] =	dma.local [hbm:s3], $0xF7A  }
0x26: {  	[smem:$0x3F9D] =	sst s1;
	(tag) =	ssettag s2;
	_ =	strace s9  }
0x27: {  	s1 =	sld [smem:$0x3FAD]  }
0x28: {  	s2 =	sld [smem:$0x3FAE]  }
0x29: {  	s4 =	sld [smem:$0x3FB0]  }
0x2a: {  	p0 =	seq.s32 s5, $0x0;
	s5 =	sld [smem:$0x3FB1]  }
0x2b: {  	s6 =	sld [smem:$0x3FB2]  }
0x2c: {  	s7 =	sld [smem:$0x3FB3]  }
0x2d: {  	s3 =	simm.s32 $0x108;
	s8 =	sld [smem:$0x3FB4]  }
0x2e: {  	s3 =	simm.s32 @!p0 $0x1082;
	s9 =	sld [smem:$0x3FB5]  }
0x2f: {  	lr =	sadd.s32 s0, s3;
	s0 =	sld [smem:$0x3FAC]  }
0x30: {  	s3 =	sld [smem:$0x3FAF]  }
0x31: {  	[smem:$0x3FB8] =	sst s10  }
0x32: {  	s10 =	sld [smem:$0x3FB6];
	_ =	sdelay $0x3  }
0x33: {  	p0 =	seq.s32 s10, $0x1;
	s10 =	sld [smem:$0x3FB8];
	_ =	sdelay $0x3  }
0x34: {  	[smem:$0x3FB8] =	sst s10  }
0x35: {  	s10 =	sld [smem:$0x3FB7];
	_ =	sdelay $0x3  }
0x36: {  	p1 =	seq.s32 s10, $0x1;
	s10 =	sld [smem:$0x3FB8];
	_ =	sdelay $0x3  }
0x37: {  	[smem:$0x3FB8] =	sst s10  }
0x38: {  	s10 =	sld [smem:$0x3FB9]  }
0x39: {  	_ = 	snop;
	(pc) =	sbr.ind lr, $3  }
0x3a: {  	_ = 	snop  }
0x3b: {  	_ = 	snop  }
0x3c: {  	p2 =	seq.s32 s10, $0x1;
	s10 =	sld [smem:$0x3FB8]  }
0x3d: {  	_ =	shalt  }
0x3e: {  	_ =	shalt  }
0x3f: {  	_ =	shalt  }
0x40: {  	_ =	shalt  }
0x41: {  	_ =	shalt  }
0x42: {  	_ =	shalt  }
0x43: {  	_ =	shalt  }
0x44: {  	_ =	shalt  }
0x45: {  	_ =	shalt  }
0x46: {  	_ =	shalt  }
0x47: {  	_ =	shalt  }
0x48: {  	_ =	shalt  }
0x49: {  	_ =	shalt  }
0x4a: {  	_ =	shalt  }
0x4b: {  	_ =	shalt  }
0x4c: {  	_ =	shalt  }
0x4d: {  	_ =	shalt  }
0x4e: {  	_ =	shalt  }
0x4f: {  	_ =	shalt  }
0x50: {  	_ =	shalt  }
0x51: {  	_ =	shalt  }
0x52: {  	_ =	shalt  }
0x53: {  	_ =	shalt  }
0x54: {  	_ =	shalt  }
0x55: {  	_ =	shalt  }
0x56: {  	_ =	shalt  }
0x57: {  	_ =	shalt  }
0x58: {  	_ =	shalt  }
0x59: {  	_ =	shalt  }
0x5a: {  	_ =	shalt  }
0x5b: {  	_ =	shalt  }
0x5c: {  	_ =	shalt  }
0x5d: {  	_ =	shalt  }
0x5e: {  	_ =	shalt  }
0x5f: {  	_ =	shalt  }
0x60: {  	_ =	shalt  }
0x61: {  	_ =	shalt  }
0x62: {  	_ =	shalt  }
0x63: {  	_ =	shalt  }
0x64: {  	_ =	shalt  }
0x65: {  	_ =	shalt  }
0x66: {  	_ =	shalt  }
0x67: {  	_ =	shalt  }
0x68: {  	_ =	shalt  }
0x69: {  	_ =	shalt  }
0x6a: {  	_ =	shalt  }
0x6b: {  	_ =	shalt  }
0x6c: {  	_ =	shalt  }
0x6d: {  	_ =	shalt  }
0x6e: {  	_ =	shalt  }
0x6f: {  	_ =	shalt  }
0x70: {  	_ =	shalt  }
0x71: {  	_ =	shalt  }
0x72: {  	_ =	shalt  }
0x73: {  	_ =	shalt  }
0x74: {  	_ =	shalt  }
0x75: {  	_ =	shalt  }
0x76: {  	_ =	shalt  }
0x77: {  	_ =	shalt  }
0x78: {  	_ =	shalt  }
0x79: {  	_ =	shalt  }
0x7a: {  	_ =	shalt  }
0x7b: {  	_ =	shalt  }
0x7c: {  	_ =	shalt  }
0x7d: {  	_ =	shalt  }
0x7e: {  	_ =	shalt  }
0x7f: {  	_ =	shalt  }
0x80: {  	_ =	shalt  }
0x81: {  	_ =	shalt  }
0x82: {  	_ =	shalt  }
0x83: {  	_ =	shalt  }
0x84: {  	_ =	shalt  }
0x85: {  	_ =	shalt  }
0x86: {  	_ =	shalt  }
0x87: {  	_ =	shalt  }
.Lfunc_end0:
.L_simem_size_0:
called_computation_lowered:
.L_overlay_start_0:
0x88: {  	s2 =	sld [smem:$0x3FD9]  }
0x89: {  	s3 =	sld [smem:$0x3FFE];
	_ =	sdelay $0x1  }
0x8a: {  	s1 =	srdreg.scid  }
0x8b: {  	s0 =	sand.u32 $0x1, s1  }
0x8c: {  	s17 =	sshll.u32 s0, $0xA;
	s2 =	sadd.s32 s3, s2  }
0x8d: {  	s2 =	sadd.s32 s2, s17  }
0x8e: {  	[smem:$0x3FC4] =	sst s2  }
0x8f: {  	_ = 	snop  }
0x90: {  	s2 =	sld [smem:$0x3FD0];
	(tm) =	ssettm $0x1  }
0x91: {  	s18 =	sld [smem:$0x3FFB];
	_ =	sdelay $0x3  }
0x92: {  	_ =	strace s18  }
0x93: {  	s3 =	sld [smem:$0x3FFC];
	_ =	sdelay $0x3  }
0x94: {  	_ =	strace s3  }
0x95: {  	s3 =	sld [smem:$0x3FFD];
	_ =	sdelay $0x3  }
0x96: {  	_ =	strace s3  }
0x97: {  	_ =	strace $0x8FFFFFFF  }
0x98: {  	s19 =	sld [smem:$0x3FDB];
	_ =	sdelay $0x1  }
0x99: {  	s4 =	simm.s32 $_scs_section_size  }
0x9a: {  	s5 =	simm.s32 $_size__tile_overlayer_lowered;
	s6 =	simm.s32 $_tile_overlayer_lowered  }
0x9b: {  	s22 =	simm.s32 $0x1BFF;
	s21 =	sshll.u32 s6, $0x1;
	s3 =	sadd.s32 s4, s19  }
0x9c: {  	s7 =	simm.s32 $0x0;
	s20 =	sshll.u32 s5, $0x1;
	s5 =	sadd.s32 s21, s3  }
0x9d: {  	[timem:s7], [sflag:s22] =	dma.local [hbm:s5], s20  }
0x9e: {  	_ =	swait.ge [sflag:s22], s20  }
0x9f: {  	s4 =	ssub.s32 $0x0, s20;
	[sflag:s22] =	ssyncset.done $0x0  }
0xa0: {  	[sflag:s22] =	ssyncadd.s32 s4;
	_ =	sdelay $0x1  }
0xa1: {  	s23 =	simm.s32 $0x1B8B  }
0xa2: {  	_ =	swait.ge [sflag:s23], $0x1  }
0xa3: {  	[sflag:s23] =	ssyncset.done $0x0  }
0xa4: {  	s25 =	simm.s32 $0x1B8E;
	s24 =	sld [smem:$0x3FFE];
	[sflag:s23] =	ssyncadd.s32 $0xFFFFFFFF  }
0xa5: {  	s26 =	simm.s32 $execute0_lowered;
	[smem:$0x3FD2] =	sst s25  }
0xa6: {  	s5 =	sshll.u32 s26, $0x1;
	_ =	strace $0x80000046;
	[dreg:$0x1] =	wrdreg $0xFFFFFFFF  }
0xa7: {  	s28 =	simm.s32 $_size_execute0_lowered;
	s3 =	sadd.s32 s3, s5;
	[dreg:$0x0] =	wrdreg $0x0  }
0xa8: {  	s5 =	sshll.u32 s28, $0x1;
	[dreg:$0x2] =	wrdreg s3  }
0xa9: {  	[dreg:$0x3] =	wrdreg s5  }
0xaa: {  	[dreg:$0x4] =	wrdreg $0xC0  }
0xab: {  	_ =	task [dreg:s7], $0x5FFFF  }
0xac: {  	[dreg:$0x1] =	wrdreg $0xFFFFFFFF  }
0xad: {  	[dreg:$0x0] =	wrdreg $0x60  }
0xae: {  	[dreg:$0x2] =	wrdreg s24  }
0xaf: {  	[dreg:$0x3] =	wrdreg s2  }
0xb0: {  	[dreg:$0x4] =	wrdreg $0x9  }
0xb1: {  	_ =	task.clear_ibuf [dreg:s7], $0x5FFFF;
	_ =	strace $0x90000046  }
0xb2: {  	s29 =	simm.s32 $0x9;
	_ =	strace $0x80000048  }
0xb3: {  	_ =	swait.ge [sflag:s29], $0x1  }
0xb4: {  	[sflag:s29] =	ssyncadd.s32 $0xFFFFFFFF  }
0xb5: {  	_ =	strace $0x90000048  }
0xb6: {  	_ =	sfence  }
0xb7: {  	s30 =	sld [smem:$0x0];
	_ =	sdelay $0x2  }
0xb8: {  	s31 =	sshll.u32 s1, $0xD;
	s1 =	sshrl.u32 s1, $0x2  }
0xb9: {  	s3 =	sand.u32 $0x4000, s31;
	s1 =	sadd.s32 s1, s30  }
0xba: {  	s0 =	sor.u32 s3, s0;
	s1 =	sshll.u32 s1, $0x11  }
0xbb: {  	s0 =	sor.u32 s1, s0  }
0xbc: {  	s0 =	sadd.s32 $0x8F2B, s0  }
0xbd: {  	[sflag:s0] =	ssyncadd.remote.s32 $0x1  }
0xbe: {  	_ =	sfence.sel $0xFFFF  }
0xbf: {  	[dreg:$0x0] =	wrdreg $0xFFFFFFFF;
	(pc) =	sbr.abs _section_cstart, $3  }
0xc0: {  	[dreg:$0x1] =	wrdreg $0xFFFFFFFF  }
0xc1: {  	_ =	task.clear_ibuf [dreg:s7], $0x2FFFF;
	_ =	strace $0x9FFFFFFF  }
0xc2: {  	(tm) =	ssettm $0x7FFFFFFF  }
0xc3: {  	_ =	shalt  }
tec
execute0_lowered:
.L_overlay_start_1:
0x0: {  	(tag) =	ssettag $0x1  }
0x1: {  	s4 =	rddreg [dreg:$0x0];
	s1 =	srdreg.scid  }
0x2: {  	s0 =	stileid.u32;
	s5 =	rddreg [dreg:$0x1];
	s2 =	simm.s32 $0x0  }
0x3: {  	s9 =	simm.s32 $0x1;
	s10 =	simm.s32 $0xC800;
	s11 =	simm.s32 $0x0  }
0x4: {  	s6 =	sand.u32 $0x1, s1;
	s3 =	sshll.u32 s0, $0x1;
	s1 =	rddreg [dreg:$0x2]  }
0x5: {  	[smem:$0x7FF] =	sst s2;
	s7 =	sor.u32 s6, s3;
	s6 =	ssub.s32 $0x2, s6  }
0x6: {  	_ =	strace $0x80000047;
	s8 =	smul.u32 $0xC80, s7;
	s31 =	sshrl.u32 s6, $0x1  }
0x7: {  	s3 =	sadd.s32 $0x1000, s4;
	s7 =	sshll.u32 s7, $0x4;
	s6 =	ssub.s32 s6, s31  }
0x8: {  	s5 =	sadd.s32 s5, s7;
	s7 =	simm.s32 $0x2;
	s4 =	sadd.s32 s8, s4  }
0x9: {  	s6 =	smax.u32 s6, $0x1;
	s8 =	simm.s32 $0x80;
	s4 =	sadd.s32 $0xF43600, s4  }
.LBB2_1:
0xa: {  	[tilespmem:s2], [sflag:$0x2] =	stream.linear.gather [hbm4b:s4+s2], $0x6400, $0x38;
	[tilespmem:$0xC880] =	vst v63  }
0xb: {  	_ =	swait.ge [sflag:s7], $0x6400  }
0xc: {  	s12 =	simm.s32 $0x200;
	[sflag:s7] =	ssyncset.done $0x0  }
0xd: {  	s13 =	simm.s32 $0x0;
	s14 =	simm.s32 $0x6400;
	[sflag:s7] =	ssyncadd.s32 $0xFFFF9C00  }
.LBB2_2:
0xe: {  	[tilespmem:s14], [sflag:$0x1] =	stream.indirect.gather [hbm4b:s3+s8], $0x1, s13, s8, $0xb8;
	[tilespmem:$0xC880] =	vst v63  }
0xf: {  	s13 =	smov.u32 s12;
	p0 =	sne.s32 s12, $0x18E00  }
.Ltmp0:
0x10: {  	s12 =	sadd.s32 $0x200, s12;
	(pc) =	sbr.rel @p0 .LBB2_2-.Ltmp0, $3  }
0x11: {  	_ =	sdelay $0x1  }
0x12: {  	s13 =	sshra.s32 s13, $0x2  }
0x13: {  	s14 =	sadd.s32 $0x6400, s13  }
0x14: {  	[tilespmem:s14], [sflag:$0x1] =	stream.indirect.gather [hbm4b:s3+s8], $0x1, s13, s8, $0xb8;
	[tilespmem:$0xC880] =	vst v63  }
0x15: {  	_ =	swait.ge [sflag:s9], $0x6400  }
0x16: {  	[sflag:s9] =	ssyncset.done $0x0  }
0x17: {  	s31 =	simm.s32 $0x0;
	[sflag:s9] =	ssyncadd.s32 $0xFFFF9C00  }
0x18: {  	v0 =	vld [tilespmem:s31+$0x6470]  }
0x19: {  	v2 =	vld [tilespmem:s31+$0x6400]  }
0x1a: {  	v3 =	vld [tilespmem:s31+$0x6410]  }
0x1b: {  	v12 =	vld [tilespmem:s31+$0x6420]  }
0x1c: {  	v10 =	vld [tilespmem:s31+$0x6430]  }
0x1d: {  	v1 =	vimm.f32 $0.0e+00;
	v6 =	vimm.f32 $0.0e+00;
	v7 =	vld [tilespmem:s31+$0x6440]  }
0x1e: {  	v9 =	vimm.f32 $0.0e+00;
	v8 =	vld [tilespmem:s31+$0x6450];
	v0 =	vadd.f32 v0, v1;
	v5 =	vadd.f32 v2, v1  }
0x1f: {  	s12 =	simm.s32 $0x80;
	s13 =	simm.s32 $0x400;
	v11 =	vld [tilespmem:s31+$0x6460];
	v4 =	vadd.f32 v3, v1;
	v3 =	vimm.f32 $0.0e+00;
	v2 =	vimm.f32 $0.0e+00  }
.LBB2_4:
0x20: {  	p0 =	sne.s32 s13, $0x18E00;
	v13 =	vld [tilespmem:s12+$0x6470];
	v1 =	vadd.f32 v12, v1  }
0x21: {  	v14 =	vld [tilespmem:s12+$0x6400];
	v6 =	vadd.f32 v10, v6  }
0x22: {  	v15 =	vld [tilespmem:s12+$0x6410];
	v9 =	vadd.f32 v7, v9  }
.Ltmp1:
0x23: {  	v12 =	vld [tilespmem:s12+$0x6420];
	v3 =	vadd.f32 v8, v3;
	(pc) =	sbr.rel @p0 .LBB2_4-.Ltmp1, $4  }
0x24: {  	v10 =	vld [tilespmem:s12+$0x6430];
	v2 =	vadd.f32 v11, v2  }
0x25: {  	v7 =	vld [tilespmem:s12+$0x6440];
	v0 =	vadd.f32 v13, v0  }
0x26: {  	v5 =	vadd.f32 v14, v5;
	v8 =	vld [tilespmem:s12+$0x6450]  }
0x27: {  	v4 =	vadd.f32 v15, v4;
	v11 =	vld [tilespmem:s12+$0x6460];
	s12 =	sshra.s32 s13, $0x2;
	s13 =	sadd.s32 $0x200, s13  }
0x28: {  	v13 =	vld [tilespmem:s12+$0x6400]  }
0x29: {  	v14 =	vld [tilespmem:s12+$0x6410]  }
0x2a: {  	v15 =	vld [tilespmem:s12+$0x6420]  }
0x2b: {  	v16 =	vld [tilespmem:s12+$0x6430]  }
0x2c: {  	v17 =	vld [tilespmem:s12+$0x6440]  }
0x2d: {  	v1 =	vadd.f32 v12, v1;
	v58 =	vld [tilespmem:s12+$0x6450];
	v5 =	vadd.f32 v13, v5  }
0x2e: {  	v60 =	vld [tilespmem:s12+$0x6470];
	v6 =	vadd.f32 v10, v6;
	v4 =	vadd.f32 v14, v4  }
0x2f: {  	v59 =	vld [tilespmem:s12+$0x6460];
	v7 =	vadd.f32 v7, v9;
	v1 =	vadd.f32 v15, v1;
	v5 =	vmul.f32 $4.999999890e-03, v5  }
0x30: {  	v3 =	vadd.f32 v8, v3;
	v6 =	vadd.f32 v16, v6;
	v4 =	vmul.f32 $4.999999890e-03, v4  }
0x31: {  	v7 =	vadd.f32 v17, v7;
	v1 =	vmul.f32 $4.999999890e-03, v1;
	[tilespmem:$0xC800] =	vst v5  }
0x32: {  	v2 =	vadd.f32 v11, v2;
	v3 =	vadd.f32 v58, v3;
	v61 =	vmul.f32 $4.999999890e-03, v6;
	[tilespmem:$0xC810] =	vst v4  }
0x33: {  	v0 =	vadd.f32 v60, v0;
	v62 =	vmul.f32 $4.999999890e-03, v7;
	[tilespmem:$0xC820] =	vst v1  }
0x34: {  	v2 =	vadd.f32 v59, v2;
	v3 =	vmul.f32 $4.999999890e-03, v3;
	[tilespmem:$0xC830] =	vst v61  }
0x35: {  	v0 =	vmul.f32 $4.999999890e-03, v0;
	[tilespmem:$0xC840] =	vst v62  }
0x36: {  	s11 =	sadd.s32 $0x1, s11;
	v63 =	vmul.f32 $4.999999890e-03, v2;
	[tilespmem:$0xC850] =	vst v3  }
0x37: {  	p0 =	sne.s32 s11, s6;
	[tilespmem:$0xC870] =	vst v0  }
.Ltmp2:
0x38: {  	[tilespmem:$0xC860] =	vst v63;
	(pc) =	sbr.rel @p0 .LBB2_1-.Ltmp2, $4  }
0x39: {  	[hbm4b:s5+s2] =	stream.linear.scatter [tilespmem:s10], [sflag:$0x2], $0x80, $0x38;
	[tilespmem:$0xC880] =	vst v63  }
0x3a: {  	_ =	swait.ge [sflag:s7], $0x80  }
0x3b: {  	[sflag:s7] =	ssyncset.done $0x0  }
0x3c: {  	[sflag:s7] =	ssyncadd.s32 $0xFFFFFF80  }
0x3d: {  	_ =	sfence.sel $0x180000  }
0x3e: {  	[bflag:$0x0] =	sbarrier.arrive $0xFFFF  }
0x3f: {  	p0 =	sne.s32 s0, $0x0;
	_ =	strace $0x90000047  }
0x40: {  	s0 =	sadd.s32 @!p0 $0x100000, s1;
	[bflag:$0x2] =	sbarrier.arrive $0xFFFF  }
0x41: {  	[sflag:s0] =	ssyncadd.tile.s32 @!p0 $0x1;
	_ =	shalt  }
.Lfunc_end2:
_tile_overlayer_lowered:
.L_overlay_start_2:
0x42: {  	(tag) =	ssettag $0x2  }
0x43: {  	s0 =	rddreg [dreg:$0x0];
	s2 =	stileid.u32  }
0x44: {  	s1 =	rddreg [dreg:$0x1];
	p0 =	sne.s32 s2, $0x0  }
0x45: {  	s3 =	rddreg [dreg:$0x2];
	[bflag:$0x3] =	sbarrier.arrive $0xFFFF;
	s2 =	simm.s32 @!p0 $0x1C02  }
0x46: {  	[timem:s3], [sflag:s2] =	dma.local @!p0 [hbm:s0], s1  }
0x47: {  	s0 =	simm.s32 @!p0 $0x2  }
0x48: {  	_ =	swait.ge @!p0 [sflag:s0], s1  }
0x49: {  	s1 =	ssub.s32 @!p0 $0x0, s1;
	[sflag:s0] =	ssyncset.done @!p0 $0x0  }
0x4a: {  	[sflag:s0] =	ssyncadd.s32 @!p0 s1  }
0x4b: {  	[bflag:$0x3] =	sbarrier.arrive $0xFFFF  }
0x4c: {  	_ =	shalt  }

</sc_bundles>
